<compile_context>
chip_gen: v7x
topology: tpu7x:2x2x1
jax: 0.10.2.dev20260603
libtpu: 0.0.44.dev20260713+nightly
codegen_flags: <defaults>
</compile_context>

<pallas_src>
import functools

import jax
import jax.numpy as jnp
from jax import lax
from jax.experimental import pallas as pl
from jax.experimental.pallas import tpu as pltpu
from jax.experimental.pallas import tpu_sc as plsc

_NC = 2
_NS = 16
_LANES = 16


def _row_means(table):
    v, e = table.shape
    rb = 32768
    t = rb // e
    grid = (v + rb - 1) // rb

    def body(x_ref, o_ref):
        x = x_ref[...].reshape(t, e, e)
        xt = jnp.transpose(x, (0, 2, 1))
        s = jnp.sum(xt, axis=1) * (1.0 / e)
        o_ref[...] = s.reshape(rb)

    out = pl.pallas_call(
        body,
        grid=(grid,),
        in_specs=[pl.BlockSpec((rb, e), lambda i: (i, 0))],
        out_specs=pl.BlockSpec((rb,), lambda i: (i,)),
        out_shape=jax.ShapeDtypeStruct((grid * rb,), jnp.float32),
    )(table)
    return out


def _gather_softmax_t(feats_t, means, b, l):
    nw = _NC * _NS
    bw = b // nw
    assert bw * nw == b
    assert bw <= 128
    ngr = bw // _LANES
    assert ngr * _LANES == bw

    mesh = plsc.VectorSubcoreMesh(core_axis_name="c", subcore_axis_name="s")
    n_means = means.shape[0]
    mchunk = n_means // _NS
    assert mchunk * _NS == n_means

    @functools.partial(
        pl.kernel,
        mesh=mesh,
        out_type=jax.ShapeDtypeStruct((l, b), jnp.float32),
        scratch_types=[
            pltpu.VMEM_SHARED((n_means,), jnp.float32),
            pltpu.VMEM((l, bw), jnp.int32),
            pltpu.VMEM((l, bw), jnp.float32),
            pltpu.SemaphoreType.DMA,
        ],
        compiler_params=pltpu.CompilerParams(
            use_tc_tiling_on_sc=False, needs_layout_passes=False
        ),
    )
    def kern(feat_hbm, means_hbm, out_hbm, means_sh, idx_v, vals_v, gsem):
        wid = lax.axis_index("s") * _NC + lax.axis_index("c")
        b0 = wid * bw
        sid = lax.axis_index("s")

        pltpu.sync_copy(
            means_hbm.at[pl.ds(sid * mchunk, mchunk)],
            means_sh.at[pl.ds(sid * mchunk, mchunk)],
        )
        pltpu.sync_copy(feat_hbm.at[:, pl.ds(b0, bw)], idx_v)
        plsc.subcore_barrier()

        def fire(li, carry):
            pltpu.async_copy(
                means_sh.at[idx_v.at[li, pl.ds(0, bw)]],
                vals_v.at[li, pl.ds(0, bw)],
                gsem,
            )
            return carry

        lax.fori_loop(0, l, fire, 0)

        pltpu.make_async_copy(out_hbm.at[:, pl.ds(b0, bw)], vals_v, gsem).wait()

        cols = [pl.ds(g * _LANES, _LANES) for g in range(ngr)]

        def mx(li, ms):
            return tuple(
                jnp.maximum(ms[g], vals_v[li, cols[g]]) for g in range(ngr)
            )

        ms = lax.fori_loop(
            1, l, mx, tuple(vals_v[0, cols[g]] for g in range(ngr))
        )

        def es(li, ss):
            nxt = []
            for g in range(ngr):
                ev = jnp.exp(vals_v[li, cols[g]] - ms[g])
                vals_v[li, cols[g]] = ev
                nxt.append(ss[g] + ev)
            return tuple(nxt)

        zero = jnp.zeros((_LANES,), jnp.float32)
        ss = lax.fori_loop(0, l, es, (zero,) * ngr)
        invs = [1.0 / ss[g] for g in range(ngr)]

        def sc(li, carry):
            for g in range(ngr):
                vals_v[li, cols[g]] = vals_v[li, cols[g]] * invs[g]
            return carry

        lax.fori_loop(0, l, sc, 0)

        pltpu.sync_copy(vals_v, out_hbm.at[:, pl.ds(b0, bw)])

    return kern(feats_t, means)


def kernel(_paragraphs, features, table):
    b, _, l = features.shape
    means = _row_means(table)
    feats_t = features[:, 0, :].T
    out_t = _gather_softmax_t(feats_t, means, b, l)
    return out_t.T[:, None, :]

# --- scband reference (transcript-rebuilt; emitter-appended) ---
"""Pipeline reference for scband-word2-vec-4561255268748 (READ-ONLY COPY).

The authoritative reference and input builder live on the scoring server;
editing this copy changes nothing except your own understanding.
"""

import jax, jax.numpy as jnp
import numpy as np

VOCAB = 1000000
EMBED = 128
B = 4096
L = 200

def setup_inputs(seed: int = 0) -> dict:
    key = jax.random.key(seed)
    k1, k2, k3 = jax.random.split(key, 3)
    _paragraphs = jax.random.randint(k1, (B,), 0, VOCAB, dtype=jnp.int64 if jax.config.jax_enable_x64 else jnp.int32)
    features = jax.random.randint(k2, (B, 2, L), 0, VOCAB, dtype=jnp.int64 if jax.config.jax_enable_x64 else jnp.int32)
    table = jax.random.normal(k3, (VOCAB, EMBED), dtype=jnp.float32) * 0.01
    return {"_paragraphs": _paragraphs, "features": features, "table": table}

def reference(_paragraphs, features, table):
    # call(inputs): _paragraphs, features = inputs
    paragraph_repr = features[:, 0, :]            # [B, L] int indices
    word_embedding = jnp.take(table, paragraph_repr, axis=0)  # [B, L, EMBED]
    reduced = jnp.mean(word_embedding, axis=2)    # [B, L] (mean over embedding dim)
    reduced = jnp.expand_dims(reduced, axis=1)    # [B, 1, L]
    return jax.nn.softmax(reduced, axis=-1)

if __name__ == "__main__":
    import jax
    _d = setup_inputs()
    print(jax.jit(kernel)(*tuple(_d.values())))

</pallas_src>

<mosaic_0001>
#map = affine_map<(d0, d1) -> (0, 0)>
#map1 = affine_map<(d0, d1) -> (0)>
module attributes {stable_mosaic.version = 14 : i64} {
  func.func @kern(%arg0: i32, %arg1: i32, %arg2: memref<200x4096xi32, #tpu.memory_space<hbm>>, %arg3: memref<1015808xf32, #tpu.memory_space<hbm>>, %arg4: memref<200x4096xf32, #tpu.memory_space<hbm>>, %arg5: memref<1015808xf32, #tpu.memory_space<vmem_shared>>, %arg6: memref<200x128xi32, #tpu.memory_space<vmem>>, %arg7: memref<200x128xf32, #tpu.memory_space<vmem>>, %arg8: memref<!tpu.dma_semaphore, #tpu.memory_space<semaphore_mem>>) attributes {dimension_semantics = [#tpu.dimension_semantics<core_parallel>, #tpu.dimension_semantics<subcore_parallel>], iteration_bounds = array<i64: 2, 16>, scalar_prefetch = 0 : i64, scratch_operands = 4 : i64, tpu.core_type = #tpu.core_type<sc_vector_subcore>, window_params = [{transform_indices = #map}, {transform_indices = #map1}, {transform_indices = #map}]} {
    %mul3A = arith.constant 2 : i32
    %mul3A_0 = arith.muli %arg1, %mul3A : i32
    %add3A = arith.addi %mul3A_0, %arg0 : i32
    %mul3A_1 = arith.constant 128 : i32
    %mul3A_2 = arith.muli %add3A, %mul3A_1 : i32
    %mul3A_3 = arith.constant 63488 : i32
    %mul3A_4 = arith.muli %arg1, %mul3A_3 : i32
    %mul3A_5 = arith.constant 63488 : i32
    %mul3A_6 = arith.muli %arg1, %mul3A_5 : i32
    "tpu.region"() ({
      %run_scoped3A = tpu.sem_alloc : memref<!tpu.dma_semaphore, #tpu.memory_space<semaphore_mem>>
      %dma_start3A = tpu.memref_slice %arg5[%mul3A_6] : memref<1015808xf32, #tpu.memory_space<vmem_shared>> -> memref<63488xf32, #tpu.memory_space<vmem_shared>>
      %dma_start3A_88 = tpu.memref_slice %arg3[%mul3A_4] : memref<1015808xf32, #tpu.memory_space<hbm>> -> memref<63488xf32, #tpu.memory_space<hbm>>
      tpu.enqueue_dma source(%dma_start3A_88 : memref<63488xf32, #tpu.memory_space<hbm>>) target(%dma_start3A : memref<63488xf32, #tpu.memory_space<vmem_shared>>) target_semaphore(%run_scoped3A : memref<!tpu.dma_semaphore, #tpu.memory_space<semaphore_mem>>)
      %dma_wait3A_89 = tpu.memref_slice %arg5[%mul3A_6] : memref<1015808xf32, #tpu.memory_space<vmem_shared>> -> memref<63488xf32, #tpu.memory_space<vmem_shared>>
      %dma_wait3A_90 = tpu.memref_slice %arg3[%mul3A_4] : memref<1015808xf32, #tpu.memory_space<hbm>> -> memref<63488xf32, #tpu.memory_space<hbm>>
      tpu.wait_dma2 semaphore(%run_scoped3A : memref<!tpu.dma_semaphore, #tpu.memory_space<semaphore_mem>>) src(%dma_wait3A_90 : memref<63488xf32, #tpu.memory_space<hbm>>) dst(%dma_wait3A_89 : memref<63488xf32, #tpu.memory_space<vmem_shared>>)
      tpu.yield
    }) : () -> ()
    "tpu.region"() ({
      %run_scoped3A = tpu.sem_alloc : memref<!tpu.dma_semaphore, #tpu.memory_space<semaphore_mem>>
      %dma_start3A = arith.constant 0 : i32
      %dma_start3A_88 = tpu.memref_slice %arg2[%dma_start3A, %mul3A_2] : memref<200x4096xi32, #tpu.memory_space<hbm>> -> memref<200x128xi32, #tpu.memory_space<hbm>>
      %dma_start3A_89 = arith.constant 0 : i32
      %dma_start3A_90 = tpu.memref_slice %arg2[%dma_start3A_89, %mul3A_2] : memref<200x4096xi32, #tpu.memory_space<hbm>> -> memref<200x128xi32, #tpu.memory_space<hbm>>
      tpu.enqueue_dma source(%dma_start3A_90 : memref<200x128xi32, #tpu.memory_space<hbm>>) target(%arg6 : memref<200x128xi32, #tpu.memory_space<vmem>>) target_semaphore(%run_scoped3A : memref<!tpu.dma_semaphore, #tpu.memory_space<semaphore_mem>>)
      %dma_wait3A_91 = arith.constant 0 : i32
      %dma_wait3A_92 = tpu.memref_slice %arg2[%dma_wait3A_91, %mul3A_2] : memref<200x4096xi32, #tpu.memory_space<hbm>> -> memref<200x128xi32, #tpu.memory_space<hbm>>
      %dma_wait3A_93 = arith.constant 0 : i32
      %dma_wait3A_94 = tpu.memref_slice %arg2[%dma_wait3A_93, %mul3A_2] : memref<200x4096xi32, #tpu.memory_space<hbm>> -> memref<200x128xi32, #tpu.memory_space<hbm>>
      tpu.wait_dma2 semaphore(%run_scoped3A : memref<!tpu.dma_semaphore, #tpu.memory_space<semaphore_mem>>) src(%dma_wait3A_94 : memref<200x128xi32, #tpu.memory_space<hbm>>) dst(%arg6 : memref<200x128xi32, #tpu.memory_space<vmem>>)
      tpu.yield
    }) : () -> ()
    %barrier3A = arith.constant 0 : index
    tpu.barrier barrier_id(%barrier3A)
    %scan3A = arith.constant 0 : i32
    %scan3A_7 = arith.constant 0 : i32
    %scan3A_8 = arith.constant 200 : i32
    %scan3A_9 = arith.addi %scan3A_7, %scan3A_8 : i32
    %scan3A_10 = arith.constant 1 : i32
    scf.for %scan3A_88 = %scan3A_7 to %scan3A_9 step %scan3A_10  : i32 {
      %dma_start3A = arith.constant 0 : i32
      %dma_start3A_89 = tpu.memref_slice %arg7[%scan3A_88, %dma_start3A] : memref<200x128xf32, #tpu.memory_space<vmem>> -> memref<1x128xf32, #tpu.memory_space<vmem>>
      %dma_start3A_90 = tpu.memref_squeeze %dma_start3A_89 : memref<1x128xf32, #tpu.memory_space<vmem>> -> memref<128xf32, #tpu.memory_space<vmem>>
      %dma_start3A_91 = arith.constant 0 : i32
      %dma_start3A_92 = tpu.memref_slice %arg6[%scan3A_88, %dma_start3A_91] : memref<200x128xi32, #tpu.memory_space<vmem>> -> memref<1x128xi32, #tpu.memory_space<vmem>>
      %dma_start3A_93 = tpu.memref_squeeze %dma_start3A_92 : memref<1x128xi32, #tpu.memory_space<vmem>> -> memref<128xi32, #tpu.memory_space<vmem>>
      %dma_start3A_94 = arith.constant 0 : i32
      %dma_start3A_95 = tpu.memref_slice %arg5[%dma_start3A_94] : memref<1015808xf32, #tpu.memory_space<vmem_shared>> -> memref<1015808xf32, #tpu.memory_space<vmem_shared>>
      tpu.enqueue_indirect_dma source(%dma_start3A_95 : memref<1015808xf32, #tpu.memory_space<vmem_shared>>) target(%dma_start3A_90 : memref<128xf32, #tpu.memory_space<vmem>>) offsets(%dma_start3A_93 : memref<128xi32, #tpu.memory_space<vmem>>) semaphore(%arg8 : memref<!tpu.dma_semaphore, #tpu.memory_space<semaphore_mem>>)
    }
    %scan3A_11 = arith.constant 200 : i32
    %dma_wait3A = arith.constant 0 : i32
    %dma_wait3A_12 = tpu.memref_slice %arg4[%dma_wait3A, %mul3A_2] : memref<200x4096xf32, #tpu.memory_space<hbm>> -> memref<200x128xf32, #tpu.memory_space<hbm>>
    %dma_wait3A_13 = arith.constant 0 : i32
    %dma_wait3A_14 = tpu.memref_slice %arg4[%dma_wait3A_13, %mul3A_2] : memref<200x4096xf32, #tpu.memory_space<hbm>> -> memref<200x128xf32, #tpu.memory_space<hbm>>
    tpu.wait_dma2 semaphore(%arg8 : memref<!tpu.dma_semaphore, #tpu.memory_space<semaphore_mem>>) src(%dma_wait3A_14 : memref<200x128xf32, #tpu.memory_space<hbm>>) dst(%arg7 : memref<200x128xf32, #tpu.memory_space<vmem>>)
    %get3A = arith.constant 0 : i32
    %get3A_15 = arith.index_cast %get3A : i32 to index
    %get3A_16 = arith.constant 0 : index
    %get3A_17 = tpu.vector_load %arg7[%get3A_15, %get3A_16] {strides = array<i32>} : memref<200x128xf32, #tpu.memory_space<vmem>>, vector<16xf32>,
    %get3A_18 = arith.constant 0 : i32
    %get3A_19 = arith.index_cast %get3A_18 : i32 to index
    %get3A_20 = arith.constant 16 : index
    %get3A_21 = tpu.vector_load %arg7[%get3A_19, %get3A_20] {strides = array<i32>} : memref<200x128xf32, #tpu.memory_space<vmem>>, vector<16xf32>,
    %get3A_22 = arith.constant 0 : i32
    %get3A_23 = arith.index_cast %get3A_22 : i32 to index
    %get3A_24 = arith.constant 32 : index
    %get3A_25 = tpu.vector_load %arg7[%get3A_23, %get3A_24] {strides = array<i32>} : memref<200x128xf32, #tpu.memory_space<vmem>>, vector<16xf32>,
    %get3A_26 = arith.constant 0 : i32
    %get3A_27 = arith.index_cast %get3A_26 : i32 to index
    %get3A_28 = arith.constant 48 : index
    %get3A_29 = tpu.vector_load %arg7[%get3A_27, %get3A_28] {strides = array<i32>} : memref<200x128xf32, #tpu.memory_space<vmem>>, vector<16xf32>,
    %get3A_30 = arith.constant 0 : i32
    %get3A_31 = arith.index_cast %get3A_30 : i32 to index
    %get3A_32 = arith.constant 64 : index
    %get3A_33 = tpu.vector_load %arg7[%get3A_31, %get3A_32] {strides = array<i32>} : memref<200x128xf32, #tpu.memory_space<vmem>>, vector<16xf32>,
    %get3A_34 = arith.constant 0 : i32
    %get3A_35 = arith.index_cast %get3A_34 : i32 to index
    %get3A_36 = arith.constant 80 : index
    %get3A_37 = tpu.vector_load %arg7[%get3A_35, %get3A_36] {strides = array<i32>} : memref<200x128xf32, #tpu.memory_space<vmem>>, vector<16xf32>,
    %get3A_38 = arith.constant 0 : i32
    %get3A_39 = arith.index_cast %get3A_38 : i32 to index
    %get3A_40 = arith.constant 96 : index
    %get3A_41 = tpu.vector_load %arg7[%get3A_39, %get3A_40] {strides = array<i32>} : memref<200x128xf32, #tpu.memory_space<vmem>>, vector<16xf32>,
    %get3A_42 = arith.constant 0 : i32
    %get3A_43 = arith.index_cast %get3A_42 : i32 to index
    %get3A_44 = arith.constant 112 : index
    %get3A_45 = tpu.vector_load %arg7[%get3A_43, %get3A_44] {strides = array<i32>} : memref<200x128xf32, #tpu.memory_space<vmem>>, vector<16xf32>,
    %scan3A_46 = arith.constant 1 : i32
    %scan3A_47 = arith.constant 199 : i32
    %scan3A_48 = arith.addi %scan3A_46, %scan3A_47 : i32
    %scan3A_49 = arith.constant 1 : i32
    %scan3A_50:8 = scf.for %scan3A_88 = %scan3A_46 to %scan3A_48 step %scan3A_49 iter_args(%scan3A_89 = %get3A_17, %scan3A_90 = %get3A_21, %scan3A_91 = %get3A_25, %scan3A_92 = %get3A_29, %scan3A_93 = %get3A_33, %scan3A_94 = %get3A_37, %scan3A_95 = %get3A_41, %scan3A_96 = %get3A_45) -> (vector<16xf32>, vector<16xf32>, vector<16xf32>, vector<16xf32>, vector<16xf32>, vector<16xf32>, vector<16xf32>, vector<16xf32>)  : i32 {
      %get3A_97 = arith.index_cast %scan3A_88 : i32 to index
      %get3A_98 = arith.constant 0 : index
      %get3A_99 = tpu.vector_load %arg7[%get3A_97, %get3A_98] {strides = array<i32>} : memref<200x128xf32, #tpu.memory_space<vmem>>, vector<16xf32>,
      %max3A = arith.maximumf %scan3A_89, %get3A_99 : vector<16xf32>
      %get3A_100 = arith.index_cast %scan3A_88 : i32 to index
      %get3A_101 = arith.constant 16 : index
      %get3A_102 = tpu.vector_load %arg7[%get3A_100, %get3A_101] {strides = array<i32>} : memref<200x128xf32, #tpu.memory_space<vmem>>, vector<16xf32>,
      %max3A_103 = arith.maximumf %scan3A_90, %get3A_102 : vector<16xf32>
      %get3A_104 = arith.index_cast %scan3A_88 : i32 to index
      %get3A_105 = arith.constant 32 : index
      %get3A_106 = tpu.vector_load %arg7[%get3A_104, %get3A_105] {strides = array<i32>} : memref<200x128xf32, #tpu.memory_space<vmem>>, vector<16xf32>,
      %max3A_107 = arith.maximumf %scan3A_91, %get3A_106 : vector<16xf32>
      %get3A_108 = arith.index_cast %scan3A_88 : i32 to index
      %get3A_109 = arith.constant 48 : index
      %get3A_110 = tpu.vector_load %arg7[%get3A_108, %get3A_109] {strides = array<i32>} : memref<200x128xf32, #tpu.memory_space<vmem>>, vector<16xf32>,
      %max3A_111 = arith.maximumf %scan3A_92, %get3A_110 : vector<16xf32>
      %get3A_112 = arith.index_cast %scan3A_88 : i32 to index
      %get3A_113 = arith.constant 64 : index
      %get3A_114 = tpu.vector_load %arg7[%get3A_112, %get3A_113] {strides = array<i32>} : memref<200x128xf32, #tpu.memory_space<vmem>>, vector<16xf32>,
      %max3A_115 = arith.maximumf %scan3A_93, %get3A_114 : vector<16xf32>
      %get3A_116 = arith.index_cast %scan3A_88 : i32 to index
      %get3A_117 = arith.constant 80 : index
      %get3A_118 = tpu.vector_load %arg7[%get3A_116, %get3A_117] {strides = array<i32>} : memref<200x128xf32, #tpu.memory_space<vmem>>, vector<16xf32>,
      %max3A_119 = arith.maximumf %scan3A_94, %get3A_118 : vector<16xf32>
      %get3A_120 = arith.index_cast %scan3A_88 : i32 to index
      %get3A_121 = arith.constant 96 : index
      %get3A_122 = tpu.vector_load %arg7[%get3A_120, %get3A_121] {strides = array<i32>} : memref<200x128xf32, #tpu.memory_space<vmem>>, vector<16xf32>,
      %max3A_123 = arith.maximumf %scan3A_95, %get3A_122 : vector<16xf32>
      %get3A_124 = arith.index_cast %scan3A_88 : i32 to index
      %get3A_125 = arith.constant 112 : index
      %get3A_126 = tpu.vector_load %arg7[%get3A_124, %get3A_125] {strides = array<i32>} : memref<200x128xf32, #tpu.memory_space<vmem>>, vector<16xf32>,
      %max3A_127 = arith.maximumf %scan3A_96, %get3A_126 : vector<16xf32>
      scf.yield %max3A, %max3A_103, %max3A_107, %max3A_111, %max3A_115, %max3A_119, %max3A_123, %max3A_127 : vector<16xf32>, vector<16xf32>, vector<16xf32>, vector<16xf32>, vector<16xf32>, vector<16xf32>, vector<16xf32>, vector<16xf32>
    }
    %scan3A_51 = arith.constant 199 : i32
    %broadcast_in_dim3A = arith.constant 0.000000e+00 : f32
    %broadcast_in_dim3A_52 = vector.broadcast %broadcast_in_dim3A : f32 to vector<16xf32>
    %scan3A_53 = arith.constant 0 : i32
    %scan3A_54 = arith.constant 200 : i32
    %scan3A_55 = arith.addi %scan3A_53, %scan3A_54 : i32
    %scan3A_56 = arith.constant 1 : i32
    %scan3A_57:8 = scf.for %scan3A_88 = %scan3A_53 to %scan3A_55 step %scan3A_56 iter_args(%scan3A_89 = %broadcast_in_dim3A_52, %scan3A_90 = %broadcast_in_dim3A_52, %scan3A_91 = %broadcast_in_dim3A_52, %scan3A_92 = %broadcast_in_dim3A_52, %scan3A_93 = %broadcast_in_dim3A_52, %scan3A_94 = %broadcast_in_dim3A_52, %scan3A_95 = %broadcast_in_dim3A_52, %scan3A_96 = %broadcast_in_dim3A_52) -> (vector<16xf32>, vector<16xf32>, vector<16xf32>, vector<16xf32>, vector<16xf32>, vector<16xf32>, vector<16xf32>, vector<16xf32>)  : i32 {
      %get3A_97 = arith.index_cast %scan3A_88 : i32 to index
      %get3A_98 = arith.constant 0 : index
      %get3A_99 = tpu.vector_load %arg7[%get3A_97, %get3A_98] {strides = array<i32>} : memref<200x128xf32, #tpu.memory_space<vmem>>, vector<16xf32>,
      %sub3A = arith.subf %get3A_99, %scan3A_50#0 : vector<16xf32>
      %exp3A = math.exp %sub3A : vector<16xf32>
      %swap3A = arith.index_cast %scan3A_88 : i32 to index
      %swap3A_100 = arith.constant 0 : index
      %swap3A_101 = tpu.vector_load %arg7[%swap3A, %swap3A_100] {strides = array<i32>} : memref<200x128xf32, #tpu.memory_space<vmem>>, vector<16xf32>,
      tpu.vector_store %arg7[%swap3A, %swap3A_100], %exp3A {strides = array<i32>} : memref<200x128xf32, #tpu.memory_space<vmem>>, vector<16xf32>,
      %add3A_102 = arith.addf %scan3A_89, %exp3A : vector<16xf32>
      %get3A_103 = arith.index_cast %scan3A_88 : i32 to index
      %get3A_104 = arith.constant 16 : index
      %get3A_105 = tpu.vector_load %arg7[%get3A_103, %get3A_104] {strides = array<i32>} : memref<200x128xf32, #tpu.memory_space<vmem>>, vector<16xf32>,
      %sub3A_106 = arith.subf %get3A_105, %scan3A_50#1 : vector<16xf32>
      %exp3A_107 = math.exp %sub3A_106 : vector<16xf32>
      %swap3A_108 = arith.index_cast %scan3A_88 : i32 to index
      %swap3A_109 = arith.constant 16 : index
      %swap3A_110 = tpu.vector_load %arg7[%swap3A_108, %swap3A_109] {strides = array<i32>} : memref<200x128xf32, #tpu.memory_space<vmem>>, vector<16xf32>,
      tpu.vector_store %arg7[%swap3A_108, %swap3A_109], %exp3A_107 {strides = array<i32>} : memref<200x128xf32, #tpu.memory_space<vmem>>, vector<16xf32>,
      %add3A_111 = arith.addf %scan3A_90, %exp3A_107 : vector<16xf32>
      %get3A_112 = arith.index_cast %scan3A_88 : i32 to index
      %get3A_113 = arith.constant 32 : index
      %get3A_114 = tpu.vector_load %arg7[%get3A_112, %get3A_113] {strides = array<i32>} : memref<200x128xf32, #tpu.memory_space<vmem>>, vector<16xf32>,
      %sub3A_115 = arith.subf %get3A_114, %scan3A_50#2 : vector<16xf32>
      %exp3A_116 = math.exp %sub3A_115 : vector<16xf32>
      %swap3A_117 = arith.index_cast %scan3A_88 : i32 to index
      %swap3A_118 = arith.constant 32 : index
      %swap3A_119 = tpu.vector_load %arg7[%swap3A_117, %swap3A_118] {strides = array<i32>} : memref<200x128xf32, #tpu.memory_space<vmem>>, vector<16xf32>,
      tpu.vector_store %arg7[%swap3A_117, %swap3A_118], %exp3A_116 {strides = array<i32>} : memref<200x128xf32, #tpu.memory_space<vmem>>, vector<16xf32>,
      %add3A_120 = arith.addf %scan3A_91, %exp3A_116 : vector<16xf32>
      %get3A_121 = arith.index_cast %scan3A_88 : i32 to index
      %get3A_122 = arith.constant 48 : index
      %get3A_123 = tpu.vector_load %arg7[%get3A_121, %get3A_122] {strides = array<i32>} : memref<200x128xf32, #tpu.memory_space<vmem>>, vector<16xf32>,
      %sub3A_124 = arith.subf %get3A_123, %scan3A_50#3 : vector<16xf32>
      %exp3A_125 = math.exp %sub3A_124 : vector<16xf32>
      %swap3A_126 = arith.index_cast %scan3A_88 : i32 to index
      %swap3A_127 = arith.constant 48 : index
      %swap3A_128 = tpu.vector_load %arg7[%swap3A_126, %swap3A_127] {strides = array<i32>} : memref<200x128xf32, #tpu.memory_space<vmem>>, vector<16xf32>,
      tpu.vector_store %arg7[%swap3A_126, %swap3A_127], %exp3A_125 {strides = array<i32>} : memref<200x128xf32, #tpu.memory_space<vmem>>, vector<16xf32>,
      %add3A_129 = arith.addf %scan3A_92, %exp3A_125 : vector<16xf32>
      %get3A_130 = arith.index_cast %scan3A_88 : i32 to index
      %get3A_131 = arith.constant 64 : index
      %get3A_132 = tpu.vector_load %arg7[%get3A_130, %get3A_131] {strides = array<i32>} : memref<200x128xf32, #tpu.memory_space<vmem>>, vector<16xf32>,
      %sub3A_133 = arith.subf %get3A_132, %scan3A_50#4 : vector<16xf32>
      %exp3A_134 = math.exp %sub3A_133 : vector<16xf32>
      %swap3A_135 = arith.index_cast %scan3A_88 : i32 to index
      %swap3A_136 = arith.constant 64 : index
      %swap3A_137 = tpu.vector_load %arg7[%swap3A_135, %swap3A_136] {strides = array<i32>} : memref<200x128xf32, #tpu.memory_space<vmem>>, vector<16xf32>,
      tpu.vector_store %arg7[%swap3A_135, %swap3A_136], %exp3A_134 {strides = array<i32>} : memref<200x128xf32, #tpu.memory_space<vmem>>, vector<16xf32>,
      %add3A_138 = arith.addf %scan3A_93, %exp3A_134 : vector<16xf32>
      %get3A_139 = arith.index_cast %scan3A_88 : i32 to index
      %get3A_140 = arith.constant 80 : index
      %get3A_141 = tpu.vector_load %arg7[%get3A_139, %get3A_140] {strides = array<i32>} : memref<200x128xf32, #tpu.memory_space<vmem>>, vector<16xf32>,
      %sub3A_142 = arith.subf %get3A_141, %scan3A_50#5 : vector<16xf32>
      %exp3A_143 = math.exp %sub3A_142 : vector<16xf32>
      %swap3A_144 = arith.index_cast %scan3A_88 : i32 to index
      %swap3A_145 = arith.constant 80 : index
      %swap3A_146 = tpu.vector_load %arg7[%swap3A_144, %swap3A_145] {strides = array<i32>} : memref<200x128xf32, #tpu.memory_space<vmem>>, vector<16xf32>,
      tpu.vector_store %arg7[%swap3A_144, %swap3A_145], %exp3A_143 {strides = array<i32>} : memref<200x128xf32, #tpu.memory_space<vmem>>, vector<16xf32>,
      %add3A_147 = arith.addf %scan3A_94, %exp3A_143 : vector<16xf32>
      %get3A_148 = arith.index_cast %scan3A_88 : i32 to index
      %get3A_149 = arith.constant 96 : index
      %get3A_150 = tpu.vector_load %arg7[%get3A_148, %get3A_149] {strides = array<i32>} : memref<200x128xf32, #tpu.memory_space<vmem>>, vector<16xf32>,
      %sub3A_151 = arith.subf %get3A_150, %scan3A_50#6 : vector<16xf32>
      %exp3A_152 = math.exp %sub3A_151 : vector<16xf32>
      %swap3A_153 = arith.index_cast %scan3A_88 : i32 to index
      %swap3A_154 = arith.constant 96 : index
      %swap3A_155 = tpu.vector_load %arg7[%swap3A_153, %swap3A_154] {strides = array<i32>} : memref<200x128xf32, #tpu.memory_space<vmem>>, vector<16xf32>,
      tpu.vector_store %arg7[%swap3A_153, %swap3A_154], %exp3A_152 {strides = array<i32>} : memref<200x128xf32, #tpu.memory_space<vmem>>, vector<16xf32>,
      %add3A_156 = arith.addf %scan3A_95, %exp3A_152 : vector<16xf32>
      %get3A_157 = arith.index_cast %scan3A_88 : i32 to index
      %get3A_158 = arith.constant 112 : index
      %get3A_159 = tpu.vector_load %arg7[%get3A_157, %get3A_158] {strides = array<i32>} : memref<200x128xf32, #tpu.memory_space<vmem>>, vector<16xf32>,
      %sub3A_160 = arith.subf %get3A_159, %scan3A_50#7 : vector<16xf32>
      %exp3A_161 = math.exp %sub3A_160 : vector<16xf32>
      %swap3A_162 = arith.index_cast %scan3A_88 : i32 to index
      %swap3A_163 = arith.constant 112 : index
      %swap3A_164 = tpu.vector_load %arg7[%swap3A_162, %swap3A_163] {strides = array<i32>} : memref<200x128xf32, #tpu.memory_space<vmem>>, vector<16xf32>,
      tpu.vector_store %arg7[%swap3A_162, %swap3A_163], %exp3A_161 {strides = array<i32>} : memref<200x128xf32, #tpu.memory_space<vmem>>, vector<16xf32>,
      %add3A_165 = arith.addf %scan3A_96, %exp3A_161 : vector<16xf32>
      scf.yield %add3A_102, %add3A_111, %add3A_120, %add3A_129, %add3A_138, %add3A_147, %add3A_156, %add3A_165 : vector<16xf32>, vector<16xf32>, vector<16xf32>, vector<16xf32>, vector<16xf32>, vector<16xf32>, vector<16xf32>, vector<16xf32>
    }
    %scan3A_58 = arith.constant 200 : i32
    %div3A = arith.constant 1.000000e+00 : f32
    %div3A_59 = vector.broadcast %div3A : f32 to vector<16xf32>
    %div3A_60 = arith.divf %div3A_59, %scan3A_57#0 : vector<16xf32>
    %div3A_61 = arith.constant 1.000000e+00 : f32
    %div3A_62 = vector.broadcast %div3A_61 : f32 to vector<16xf32>
    %div3A_63 = arith.divf %div3A_62, %scan3A_57#1 : vector<16xf32>
    %div3A_64 = arith.constant 1.000000e+00 : f32
    %div3A_65 = vector.broadcast %div3A_64 : f32 to vector<16xf32>
    %div3A_66 = arith.divf %div3A_65, %scan3A_57#2 : vector<16xf32>
    %div3A_67 = arith.constant 1.000000e+00 : f32
    %div3A_68 = vector.broadcast %div3A_67 : f32 to vector<16xf32>
    %div3A_69 = arith.divf %div3A_68, %scan3A_57#3 : vector<16xf32>
    %div3A_70 = arith.constant 1.000000e+00 : f32
    %div3A_71 = vector.broadcast %div3A_70 : f32 to vector<16xf32>
    %div3A_72 = arith.divf %div3A_71, %scan3A_57#4 : vector<16xf32>
    %div3A_73 = arith.constant 1.000000e+00 : f32
    %div3A_74 = vector.broadcast %div3A_73 : f32 to vector<16xf32>
    %div3A_75 = arith.divf %div3A_74, %scan3A_57#5 : vector<16xf32>
    %div3A_76 = arith.constant 1.000000e+00 : f32
    %div3A_77 = vector.broadcast %div3A_76 : f32 to vector<16xf32>
    %div3A_78 = arith.divf %div3A_77, %scan3A_57#6 : vector<16xf32>
    %div3A_79 = arith.constant 1.000000e+00 : f32
    %div3A_80 = vector.broadcast %div3A_79 : f32 to vector<16xf32>
    %div3A_81 = arith.divf %div3A_80, %scan3A_57#7 : vector<16xf32>
    %scan3A_82 = arith.constant 0 : i32
    %scan3A_83 = arith.constant 0 : i32
    %scan3A_84 = arith.constant 200 : i32
    %scan3A_85 = arith.addi %scan3A_83, %scan3A_84 : i32
    %scan3A_86 = arith.constant 1 : i32
    scf.for %scan3A_88 = %scan3A_83 to %scan3A_85 step %scan3A_86  : i32 {
      %get3A_89 = arith.index_cast %scan3A_88 : i32 to index
      %get3A_90 = arith.constant 0 : index
      %get3A_91 = tpu.vector_load %arg7[%get3A_89, %get3A_90] {strides = array<i32>} : memref<200x128xf32, #tpu.memory_space<vmem>>, vector<16xf32>,
      %mul3A_92 = arith.mulf %get3A_91, %div3A_60 : vector<16xf32>
      %swap3A = arith.index_cast %scan3A_88 : i32 to index
      %swap3A_93 = arith.constant 0 : index
      %swap3A_94 = tpu.vector_load %arg7[%swap3A, %swap3A_93] {strides = array<i32>} : memref<200x128xf32, #tpu.memory_space<vmem>>, vector<16xf32>,
      tpu.vector_store %arg7[%swap3A, %swap3A_93], %mul3A_92 {strides = array<i32>} : memref<200x128xf32, #tpu.memory_space<vmem>>, vector<16xf32>,
      %get3A_95 = arith.index_cast %scan3A_88 : i32 to index
      %get3A_96 = arith.constant 16 : index
      %get3A_97 = tpu.vector_load %arg7[%get3A_95, %get3A_96] {strides = array<i32>} : memref<200x128xf32, #tpu.memory_space<vmem>>, vector<16xf32>,
      %mul3A_98 = arith.mulf %get3A_97, %div3A_63 : vector<16xf32>
      %swap3A_99 = arith.index_cast %scan3A_88 : i32 to index
      %swap3A_100 = arith.constant 16 : index
      %swap3A_101 = tpu.vector_load %arg7[%swap3A_99, %swap3A_100] {strides = array<i32>} : memref<200x128xf32, #tpu.memory_space<vmem>>, vector<16xf32>,
      tpu.vector_store %arg7[%swap3A_99, %swap3A_100], %mul3A_98 {strides = array<i32>} : memref<200x128xf32, #tpu.memory_space<vmem>>, vector<16xf32>,
      %get3A_102 = arith.index_cast %scan3A_88 : i32 to index
      %get3A_103 = arith.constant 32 : index
      %get3A_104 = tpu.vector_load %arg7[%get3A_102, %get3A_103] {strides = array<i32>} : memref<200x128xf32, #tpu.memory_space<vmem>>, vector<16xf32>,
      %mul3A_105 = arith.mulf %get3A_104, %div3A_66 : vector<16xf32>
      %swap3A_106 = arith.index_cast %scan3A_88 : i32 to index
      %swap3A_107 = arith.constant 32 : index
      %swap3A_108 = tpu.vector_load %arg7[%swap3A_106, %swap3A_107] {strides = array<i32>} : memref<200x128xf32, #tpu.memory_space<vmem>>, vector<16xf32>,
      tpu.vector_store %arg7[%swap3A_106, %swap3A_107], %mul3A_105 {strides = array<i32>} : memref<200x128xf32, #tpu.memory_space<vmem>>, vector<16xf32>,
      %get3A_109 = arith.index_cast %scan3A_88 : i32 to index
      %get3A_110 = arith.constant 48 : index
      %get3A_111 = tpu.vector_load %arg7[%get3A_109, %get3A_110] {strides = array<i32>} : memref<200x128xf32, #tpu.memory_space<vmem>>, vector<16xf32>,
      %mul3A_112 = arith.mulf %get3A_111, %div3A_69 : vector<16xf32>
      %swap3A_113 = arith.index_cast %scan3A_88 : i32 to index
      %swap3A_114 = arith.constant 48 : index
      %swap3A_115 = tpu.vector_load %arg7[%swap3A_113, %swap3A_114] {strides = array<i32>} : memref<200x128xf32, #tpu.memory_space<vmem>>, vector<16xf32>,
      tpu.vector_store %arg7[%swap3A_113, %swap3A_114], %mul3A_112 {strides = array<i32>} : memref<200x128xf32, #tpu.memory_space<vmem>>, vector<16xf32>,
      %get3A_116 = arith.index_cast %scan3A_88 : i32 to index
      %get3A_117 = arith.constant 64 : index
      %get3A_118 = tpu.vector_load %arg7[%get3A_116, %get3A_117] {strides = array<i32>} : memref<200x128xf32, #tpu.memory_space<vmem>>, vector<16xf32>,
      %mul3A_119 = arith.mulf %get3A_118, %div3A_72 : vector<16xf32>
      %swap3A_120 = arith.index_cast %scan3A_88 : i32 to index
      %swap3A_121 = arith.constant 64 : index
      %swap3A_122 = tpu.vector_load %arg7[%swap3A_120, %swap3A_121] {strides = array<i32>} : memref<200x128xf32, #tpu.memory_space<vmem>>, vector<16xf32>,
      tpu.vector_store %arg7[%swap3A_120, %swap3A_121], %mul3A_119 {strides = array<i32>} : memref<200x128xf32, #tpu.memory_space<vmem>>, vector<16xf32>,
      %get3A_123 = arith.index_cast %scan3A_88 : i32 to index
      %get3A_124 = arith.constant 80 : index
      %get3A_125 = tpu.vector_load %arg7[%get3A_123, %get3A_124] {strides = array<i32>} : memref<200x128xf32, #tpu.memory_space<vmem>>, vector<16xf32>,
      %mul3A_126 = arith.mulf %get3A_125, %div3A_75 : vector<16xf32>
      %swap3A_127 = arith.index_cast %scan3A_88 : i32 to index
      %swap3A_128 = arith.constant 80 : index
      %swap3A_129 = tpu.vector_load %arg7[%swap3A_127, %swap3A_128] {strides = array<i32>} : memref<200x128xf32, #tpu.memory_space<vmem>>, vector<16xf32>,
      tpu.vector_store %arg7[%swap3A_127, %swap3A_128], %mul3A_126 {strides = array<i32>} : memref<200x128xf32, #tpu.memory_space<vmem>>, vector<16xf32>,
      %get3A_130 = arith.index_cast %scan3A_88 : i32 to index
      %get3A_131 = arith.constant 96 : index
      %get3A_132 = tpu.vector_load %arg7[%get3A_130, %get3A_131] {strides = array<i32>} : memref<200x128xf32, #tpu.memory_space<vmem>>, vector<16xf32>,
      %mul3A_133 = arith.mulf %get3A_132, %div3A_78 : vector<16xf32>
      %swap3A_134 = arith.index_cast %scan3A_88 : i32 to index
      %swap3A_135 = arith.constant 96 : index
      %swap3A_136 = tpu.vector_load %arg7[%swap3A_134, %swap3A_135] {strides = array<i32>} : memref<200x128xf32, #tpu.memory_space<vmem>>, vector<16xf32>,
      tpu.vector_store %arg7[%swap3A_134, %swap3A_135], %mul3A_133 {strides = array<i32>} : memref<200x128xf32, #tpu.memory_space<vmem>>, vector<16xf32>,
      %get3A_137 = arith.index_cast %scan3A_88 : i32 to index
      %get3A_138 = arith.constant 112 : index
      %get3A_139 = tpu.vector_load %arg7[%get3A_137, %get3A_138] {strides = array<i32>} : memref<200x128xf32, #tpu.memory_space<vmem>>, vector<16xf32>,
      %mul3A_140 = arith.mulf %get3A_139, %div3A_81 : vector<16xf32>
      %swap3A_141 = arith.index_cast %scan3A_88 : i32 to index
      %swap3A_142 = arith.constant 112 : index
      %swap3A_143 = tpu.vector_load %arg7[%swap3A_141, %swap3A_142] {strides = array<i32>} : memref<200x128xf32, #tpu.memory_space<vmem>>, vector<16xf32>,
      tpu.vector_store %arg7[%swap3A_141, %swap3A_142], %mul3A_140 {strides = array<i32>} : memref<200x128xf32, #tpu.memory_space<vmem>>, vector<16xf32>,
    }
    %scan3A_87 = arith.constant 200 : i32
    "tpu.region"() ({
      %run_scoped3A = tpu.sem_alloc : memref<!tpu.dma_semaphore, #tpu.memory_space<semaphore_mem>>
      %dma_start3A = arith.constant 0 : i32
      %dma_start3A_88 = tpu.memref_slice %arg4[%dma_start3A, %mul3A_2] : memref<200x4096xf32, #tpu.memory_space<hbm>> -> memref<200x128xf32, #tpu.memory_space<hbm>>
      %dma_start3A_89 = arith.constant 0 : i32
      %dma_start3A_90 = tpu.memref_slice %arg4[%dma_start3A_89, %mul3A_2] : memref<200x4096xf32, #tpu.memory_space<hbm>> -> memref<200x128xf32, #tpu.memory_space<hbm>>
      tpu.enqueue_dma source(%arg7 : memref<200x128xf32, #tpu.memory_space<vmem>>) target(%dma_start3A_90 : memref<200x128xf32, #tpu.memory_space<hbm>>) target_semaphore(%run_scoped3A : memref<!tpu.dma_semaphore, #tpu.memory_space<semaphore_mem>>)
      %dma_wait3A_91 = arith.constant 0 : i32
      %dma_wait3A_92 = tpu.memref_slice %arg4[%dma_wait3A_91, %mul3A_2] : memref<200x4096xf32, #tpu.memory_space<hbm>> -> memref<200x128xf32, #tpu.memory_space<hbm>>
      %dma_wait3A_93 = arith.constant 0 : i32
      %dma_wait3A_94 = tpu.memref_slice %arg4[%dma_wait3A_93, %mul3A_2] : memref<200x4096xf32, #tpu.memory_space<hbm>> -> memref<200x128xf32, #tpu.memory_space<hbm>>
      tpu.wait_dma2 semaphore(%run_scoped3A : memref<!tpu.dma_semaphore, #tpu.memory_space<semaphore_mem>>) src(%arg7 : memref<200x128xf32, #tpu.memory_space<vmem>>) dst(%dma_wait3A_94 : memref<200x128xf32, #tpu.memory_space<hbm>>)
      tpu.yield
    }) : () -> ()
    return
  }
}

module attributes {stable_mosaic.version = 14 : i64} {
  func.func @body(%arg0: i32, %arg1: memref<32768x128xf32, #tpu.memory_space<vmem>>, %arg2: memref<32768xf32, #tpu.memory_space<vmem>>) attributes {dimension_semantics = [#tpu.dimension_semantics<arbitrary>], iteration_bounds = array<i64: 31>, scalar_prefetch = 0 : i64, scratch_operands = 0 : i64, tpu.core_type = #tpu.core_type<tc>, window_params = [{transform_indices = @transform_0, window_bounds = array<i64: 32768, 128>}, {transform_indices = @transform_1, window_bounds = array<i64: 32768>}]} {
    %get3A = arith.constant 0 : index
    %get3A_0 = arith.constant 0 : index
    %get3A_1 = vector.load %arg1[%get3A, %get3A_0] : memref<32768x128xf32, #tpu.memory_space<vmem>>, vector<32768x128xf32>
    %reshape3A = vector.shape_cast %get3A_1 : vector<32768x128xf32> to vector<256x128x128xf32>
    %transpose3A = tpu.transpose %reshape3A, [0, 2, 1] : vector<256x128x128xf32> -> vector<256x128x128xf32>
    %reduce_sum3A = arith.constant dense<0.000000e+00> : vector<256x128xf32>
    %reduce_sum3A_2 = vector.multi_reduction <add>, %transpose3A, %reduce_sum3A [1] : vector<256x128x128xf32> to vector<256x128xf32>
    %mul3A = arith.constant 7.812500e-03 : f32
    %mul3A_3 = vector.broadcast %mul3A : f32 to vector<256x128xf32>
    %mul3A_4 = arith.mulf %reduce_sum3A_2, %mul3A_3 : vector<256x128xf32>
    %reshape3A_5 = vector.shape_cast %mul3A_4 : vector<256x128xf32> to vector<32768xf32>
    %swap3A = arith.constant 0 : index
    %swap3A_6 = vector.load %arg2[%swap3A] : memref<32768xf32, #tpu.memory_space<vmem>>, vector<32768xf32>
    tpu.vector_store %arg2[%swap3A], %reshape3A_5 {strides = array<i32>} : memref<32768xf32, #tpu.memory_space<vmem>>, vector<32768xf32>,
    return
  }
  func.func @transform_0(%arg0: i32) -> (i32, i32) {
    %c0_i32 = arith.constant 0 : i32
    %c0_i32_0 = arith.constant 0 : i32
    return %arg0, %c0_i32 : i32, i32
  }
  func.func @transform_1(%arg0: i32) -> i32 {
    %c0_i32 = arith.constant 0 : i32
    return %arg0 : i32
  }
}

</mosaic_0001>

<sc_bundles>
// kernel: kernel.4.cloned.1.call-start
scs
__scs_entry_jumppad:
0x0: {  	(pc) =	sbr.rel $0x88, $3  }
0x1: {  	(tag) =	ssettag $0x0;
	lr =	simm.s32 $0x1  }
0x2: {  	[smem:$0x3F9F] =	sst lr;
	_ =	strace $0xD0000000  }
0x3: {  	_ = 	snop  }
0x4: {  	_ = 	snop  }
0x5: {  	_ = 	snop  }
0x6: {  	_ = 	snop  }
0x7: {  	_ = 	snop  }
__scs_overlays_trampoline_lowered:
0x8: {  	[smem:$0x3FAE] =	sst s0  }
0x9: {  	[smem:$0x3FAF] =	sst s1  }
0xa: {  	[smem:$0x3FB0] =	sst s2  }
0xb: {  	[smem:$0x3FB1] =	sst s3  }
0xc: {  	[smem:$0x3FB2] =	sst s4  }
0xd: {  	[smem:$0x3FB3] =	sst s5  }
0xe: {  	[smem:$0x3FB4] =	sst s6  }
0xf: {  	[smem:$0x3FB5] =	sst s7  }
0x10: {  	[smem:$0x3FB6] =	sst s8  }
0x11: {  	[smem:$0x3FB7] =	sst s9;
	s0 =	simm.s32 @!p0 $0x0  }
0x12: {  	s1 =	sld [smem:$0x3F9D];
	s0 =	simm.s32 @p0 $0x1  }
0x13: {  	[smem:$0x3FB8] =	sst s0;
	s0 =	simm.s32 @!p1 $0x0  }
0x14: {  	s2 =	sld [smem:$0x3F9C];
	s0 =	simm.s32 @p1 $0x1  }
0x15: {  	[smem:$0x3FB9] =	sst s0;
	s0 =	simm.s32 @!p2 $0x0  }
0x16: {  	s3 =	sld [smem:$0x3FDB];
	s0 =	simm.s32 @p2 $0x1  }
0x17: {  	s4 =	simm.s32 $0x1BF5;
	[smem:$0x3FBB] =	sst s0  }
0x18: {  	s0 =	sld [smem:$0x3F9E];
	_ =	swait.ge [sflag:s4], $0x0  }
0x19: {  	s7 =	sld [smem:$0x3F9F]  }
0x1a: {  	s8 =	sadd.s32 $0xFFFFE003, lr  }
0x1b: {  	s9 =	sadd.s32 $0xFFFFFEF7, lr;
	s5 =	simm.s32 $0xFFFFFFFF;
	p2 =	slt.u32 s8, $0xFFFFF086  }
0x1c: {  	p1 =	slt.u32 s9, $0xF7A;
	s5 =	simm.s32 @!p2 $0x0  }
0x1d: {  	s5 =	simm.s32 @p1 $0x1;
	p0 =	seq.s32 s7, s2  }
0x1e: {  	s7 =	smul.u32 @!p0 $0xF7A, s2;
	p2 =	seq.s32 @!p0 s5, $0x0  }
0x1f: {  	s9 =	smul.u32 $0xF7A, s1;
	s8 =	simm.s32 @!p0 $0x1BF5;
	p2 =	por !p2, p0  }
0x20: {  	[sflag:s8] =	ssyncset.s32 @!p0 $0xFFFFF086;
	s6 =	sadd.s32 @!p0 s3, s7;
	s7 =	simm.s32 @!p0 $0x108  }
0x21: {  	s3 =	sadd.s32 s3, s9;
	s6 =	sadd.s32 @!p0 $0x88, s6;
	s7 =	simm.s32 @p2 $0x1082  }
0x22: {  	[simem:s7], [sflag:s8] =	dma.local @!p0 [hbm:s6], $0xF7A  }
0x23: {  	s9 =	sor.u32 $0xD0000000, s2;
	s6 =	simm.s32 $0x108;
	_ =	swait.ge @!p0 [sflag:s8], $0x0  }
0x24: {  	s3 =	sadd.s32 $0x88, s3;
	s6 =	simm.s32 @!p1 $0x1082;
	[sflag:s4] =	ssyncset.s32 $0xFFFFF086  }
0x25: {  	[simem:s6], [sflag:s4] =	dma.local [hbm:s3], $0xF7A  }
0x26: {  	[smem:$0x3F9F] =	sst s1;
	(tag) =	ssettag s2;
	_ =	strace s9  }
0x27: {  	s1 =	sld [smem:$0x3FAF]  }
0x28: {  	s2 =	sld [smem:$0x3FB0]  }
0x29: {  	s4 =	sld [smem:$0x3FB2]  }
0x2a: {  	p0 =	seq.s32 s5, $0x0;
	s5 =	sld [smem:$0x3FB3]  }
0x2b: {  	s6 =	sld [smem:$0x3FB4]  }
0x2c: {  	s7 =	sld [smem:$0x3FB5]  }
0x2d: {  	s3 =	simm.s32 $0x108;
	s8 =	sld [smem:$0x3FB6]  }
0x2e: {  	s3 =	simm.s32 @!p0 $0x1082;
	s9 =	sld [smem:$0x3FB7]  }
0x2f: {  	lr =	sadd.s32 s0, s3;
	s0 =	sld [smem:$0x3FAE]  }
0x30: {  	s3 =	sld [smem:$0x3FB1]  }
0x31: {  	[smem:$0x3FBA] =	sst s10  }
0x32: {  	s10 =	sld [smem:$0x3FB8];
	_ =	sdelay $0x3  }
0x33: {  	p0 =	seq.s32 s10, $0x1;
	s10 =	sld [smem:$0x3FBA];
	_ =	sdelay $0x3  }
0x34: {  	[smem:$0x3FBA] =	sst s10  }
0x35: {  	s10 =	sld [smem:$0x3FB9];
	_ =	sdelay $0x3  }
0x36: {  	p1 =	seq.s32 s10, $0x1;
	s10 =	sld [smem:$0x3FBA];
	_ =	sdelay $0x3  }
0x37: {  	[smem:$0x3FBA] =	sst s10  }
0x38: {  	s10 =	sld [smem:$0x3FBB]  }
0x39: {  	_ = 	snop;
	(pc) =	sbr.ind lr, $3  }
0x3a: {  	_ = 	snop  }
0x3b: {  	_ = 	snop  }
0x3c: {  	p2 =	seq.s32 s10, $0x1;
	s10 =	sld [smem:$0x3FBA]  }
0x3d: {  	_ =	shalt  }
0x3e: {  	_ =	shalt  }
0x3f: {  	_ =	shalt  }
0x40: {  	_ =	shalt  }
0x41: {  	_ =	shalt  }
0x42: {  	_ =	shalt  }
0x43: {  	_ =	shalt  }
0x44: {  	_ =	shalt  }
0x45: {  	_ =	shalt  }
0x46: {  	_ =	shalt  }
0x47: {  	_ =	shalt  }
0x48: {  	_ =	shalt  }
0x49: {  	_ =	shalt  }
0x4a: {  	_ =	shalt  }
0x4b: {  	_ =	shalt  }
0x4c: {  	_ =	shalt  }
0x4d: {  	_ =	shalt  }
0x4e: {  	_ =	shalt  }
0x4f: {  	_ =	shalt  }
0x50: {  	_ =	shalt  }
0x51: {  	_ =	shalt  }
0x52: {  	_ =	shalt  }
0x53: {  	_ =	shalt  }
0x54: {  	_ =	shalt  }
0x55: {  	_ =	shalt  }
0x56: {  	_ =	shalt  }
0x57: {  	_ =	shalt  }
0x58: {  	_ =	shalt  }
0x59: {  	_ =	shalt  }
0x5a: {  	_ =	shalt  }
0x5b: {  	_ =	shalt  }
0x5c: {  	_ =	shalt  }
0x5d: {  	_ =	shalt  }
0x5e: {  	_ =	shalt  }
0x5f: {  	_ =	shalt  }
0x60: {  	_ =	shalt  }
0x61: {  	_ =	shalt  }
0x62: {  	_ =	shalt  }
0x63: {  	_ =	shalt  }
0x64: {  	_ =	shalt  }
0x65: {  	_ =	shalt  }
0x66: {  	_ =	shalt  }
0x67: {  	_ =	shalt  }
0x68: {  	_ =	shalt  }
0x69: {  	_ =	shalt  }
0x6a: {  	_ =	shalt  }
0x6b: {  	_ =	shalt  }
0x6c: {  	_ =	shalt  }
0x6d: {  	_ =	shalt  }
0x6e: {  	_ =	shalt  }
0x6f: {  	_ =	shalt  }
0x70: {  	_ =	shalt  }
0x71: {  	_ =	shalt  }
0x72: {  	_ =	shalt  }
0x73: {  	_ =	shalt  }
0x74: {  	_ =	shalt  }
0x75: {  	_ =	shalt  }
0x76: {  	_ =	shalt  }
0x77: {  	_ =	shalt  }
0x78: {  	_ =	shalt  }
0x79: {  	_ =	shalt  }
0x7a: {  	_ =	shalt  }
0x7b: {  	_ =	shalt  }
0x7c: {  	_ =	shalt  }
0x7d: {  	_ =	shalt  }
0x7e: {  	_ =	shalt  }
0x7f: {  	_ =	shalt  }
0x80: {  	_ =	shalt  }
0x81: {  	_ =	shalt  }
0x82: {  	_ =	shalt  }
0x83: {  	_ =	shalt  }
0x84: {  	_ =	shalt  }
0x85: {  	_ =	shalt  }
0x86: {  	_ =	shalt  }
0x87: {  	_ =	shalt  }
.Lfunc_end0:
.L_simem_size_0:
called_computation_lowered:
.L_overlay_start_0:
0x88: {  	s2 =	sld [smem:$0x3FD9]  }
0x89: {  	s3 =	sld [smem:$0x3FFE];
	_ =	sdelay $0x1  }
0x8a: {  	s1 =	srdreg.scid  }
0x8b: {  	s0 =	sand.u32 $0x1, s1  }
0x8c: {  	s17 =	sshll.u32 s0, $0xA;
	s2 =	sadd.s32 s3, s2  }
0x8d: {  	s2 =	sadd.s32 s2, s17  }
0x8e: {  	[smem:$0x3FC6] =	sst s2  }
0x8f: {  	_ = 	snop  }
0x90: {  	s2 =	sld [smem:$0x3FD0];
	(tm) =	ssettm $0x1  }
0x91: {  	s18 =	sld [smem:$0x3FFB];
	_ =	sdelay $0x3  }
0x92: {  	_ =	strace s18  }
0x93: {  	s3 =	sld [smem:$0x3FFC];
	_ =	sdelay $0x3  }
0x94: {  	_ =	strace s3  }
0x95: {  	s3 =	sld [smem:$0x3FFD];
	_ =	sdelay $0x3  }
0x96: {  	_ =	strace s3  }
0x97: {  	_ =	strace $0x8FFFFFFF  }
0x98: {  	s19 =	sld [smem:$0x3FDB];
	_ =	sdelay $0x1  }
0x99: {  	s4 =	simm.s32 $_scs_section_size  }
0x9a: {  	s5 =	simm.s32 $_size__tile_overlayer_lowered;
	s6 =	simm.s32 $_tile_overlayer_lowered  }
0x9b: {  	s22 =	simm.s32 $0x1BFF;
	s21 =	sshll.u32 s6, $0x1;
	s3 =	sadd.s32 s4, s19  }
0x9c: {  	s7 =	simm.s32 $0x0;
	s20 =	sshll.u32 s5, $0x1;
	s5 =	sadd.s32 s21, s3  }
0x9d: {  	[timem:s7], [sflag:s22] =	dma.local [hbm:s5], s20  }
0x9e: {  	_ =	swait.ge [sflag:s22], s20  }
0x9f: {  	s4 =	ssub.s32 $0x0, s20;
	[sflag:s22] =	ssyncset.done $0x0  }
0xa0: {  	[sflag:s22] =	ssyncadd.s32 s4;
	_ =	sdelay $0x1  }
0xa1: {  	s23 =	simm.s32 $0x1B8B  }
0xa2: {  	_ =	swait.ge [sflag:s23], $0x1  }
0xa3: {  	[sflag:s23] =	ssyncset.done $0x0  }
0xa4: {  	s25 =	simm.s32 $0x1B8E;
	s24 =	sld [smem:$0x3FFE];
	[sflag:s23] =	ssyncadd.s32 $0xFFFFFFFF  }
0xa5: {  	s26 =	simm.s32 $execute0_lowered;
	[smem:$0x3FD2] =	sst s25  }
0xa6: {  	s5 =	sshll.u32 s26, $0x1;
	_ =	strace $0x80000046;
	[dreg:$0x1] =	wrdreg $0xFFFFFFFF  }
0xa7: {  	s28 =	simm.s32 $_size_execute0_lowered;
	s3 =	sadd.s32 s3, s5;
	[dreg:$0x0] =	wrdreg $0x0  }
0xa8: {  	s5 =	sshll.u32 s28, $0x1;
	[dreg:$0x2] =	wrdreg s3  }
0xa9: {  	[dreg:$0x3] =	wrdreg s5  }
0xaa: {  	[dreg:$0x4] =	wrdreg $0xC0  }
0xab: {  	_ =	task [dreg:s7], $0x5FFFF  }
0xac: {  	[dreg:$0x1] =	wrdreg $0xFFFFFFFF  }
0xad: {  	[dreg:$0x0] =	wrdreg $0x60  }
0xae: {  	[dreg:$0x2] =	wrdreg s2  }
0xaf: {  	[dreg:$0x3] =	wrdreg s24  }
0xb0: {  	[dreg:$0x4] =	wrdreg $0x0  }
0xb1: {  	[dreg:$0x5] =	wrdreg $0x9  }
0xb2: {  	_ =	task.clear_ibuf [dreg:s7], $0x6FFFF;
	_ =	strace $0x90000046  }
0xb3: {  	s29 =	simm.s32 $0x9;
	_ =	strace $0x80000048  }
0xb4: {  	_ =	swait.ge [sflag:s29], $0x1  }
0xb5: {  	[sflag:s29] =	ssyncadd.s32 $0xFFFFFFFF  }
0xb6: {  	_ =	strace $0x90000048  }
0xb7: {  	_ =	sfence  }
0xb8: {  	s30 =	sld [smem:$0x0];
	_ =	sdelay $0x2  }
0xb9: {  	s31 =	sshll.u32 s1, $0xD;
	s1 =	sshrl.u32 s1, $0x2  }
0xba: {  	s3 =	sand.u32 $0x4000, s31;
	s1 =	sadd.s32 s1, s30  }
0xbb: {  	s0 =	sor.u32 s3, s0;
	s1 =	sshll.u32 s1, $0x11  }
0xbc: {  	s0 =	sor.u32 s1, s0  }
0xbd: {  	s0 =	sadd.s32 $0x8F2B, s0  }
0xbe: {  	[sflag:s0] =	ssyncadd.remote.s32 $0x1  }
0xbf: {  	_ =	sfence.sel $0xFFFF  }
0xc0: {  	[dreg:$0x0] =	wrdreg $0xFFFFFFFF;
	(pc) =	sbr.abs _section_cstart, $3  }
0xc1: {  	[dreg:$0x1] =	wrdreg $0xFFFFFFFF  }
0xc2: {  	_ =	task.clear_ibuf [dreg:s7], $0x2FFFF;
	_ =	strace $0x9FFFFFFF  }
0xc3: {  	(tm) =	ssettm $0x7FFFFFFF  }
tec
execute0_lowered:
.L_overlay_start_1:
0x0: {  	(tag) =	ssettag $0x1  }
0x1: {  	s6 =	rddreg [dreg:$0x0]  }
0x2: {  	s4 =	rddreg [dreg:$0x1]  }
0x3: {  	s2 =	rddreg [dreg:$0x2]  }
0x4: {  	s0 =	rddreg [dreg:$0x3]  }
0x5: {  	s3 =	simm.s32 $0x0;
	s1 =	stileid.u32;
	s5 =	srdreg.scid  }
0x6: {  	s13 =	simm.s32 $0xF800;
	s14 =	simm.s32 $0x1;
	s15 =	simm.s32 $0x15C00  }
0x7: {  	[smem:$0x7FF] =	sst s3;
	s7 =	smul.u32 $0xF800, s1;
	s5 =	sand.u32 $0x1, s5  }
0x8: {  	s8 =	sshll.u32 s1, $0x5;
	s31 =	sshll.u32 s1, $0x6;
	_ =	strace $0x80000047  }
0x9: {  	s9 =	sshll.u32 s5, $0x4;
	s5 =	ssub.s32 $0x2, s5;
	s10 =	sshrl.u32 s7, $0x3  }
0xa: {  	s8 =	sor.u32 s9, s8;
	s30 =	sshrl.u32 s5, $0x1;
	s12 =	sadd.s32 s7, s2  }
0xb: {  	s28 =	sadd.s32 s10, s4;
	s29 =	sadd.s32 s8, s4;
	s11 =	ssub.s32 s5, s30  }
0xc: {  	s5 =	sor.u32 $0x1C02, s31;
	s6 =	sadd.s32 s6, s8;
	s9 =	sshrl.u32 s12, $0x3  }
0xd: {  	s10 =	simm.s32 $0x2;
	s12 =	simm.s32 $0x1000;
	s4 =	sadd.s32 $0x600, s28  }
0xe: {  	s7 =	sadd.s32 $0x1F600, s29;
	s8 =	smax.u32 s11, $0x1;
	s11 =	simm.s32 $0x80  }
.LBB2_1:
0xf: {  	[spmem:s9], [sflag:s5] =	dma.local [hbm:s4], $0x1F00  }
0x10: {  	_ =	swait.ge [sflag:s10], $0x1F00  }
0x11: {  	[sflag:s10] =	ssyncset.done $0x0  }
0x12: {  	[sflag:s10] =	ssyncadd.s32 $0xFFFFE100  }
0x13: {  	[tilespmem:s13], [sflag:$0x2] =	stream.strided.gather [hbm4b:s6+s11], $0x6400, s12, s11, $0x38;
	[tilespmem:$0x1C000] =	vst v63  }
0x14: {  	_ =	swait.ge [sflag:s10], $0x6400  }
0x15: {  	[sflag:s10] =	ssyncset.done $0x0  }
0x16: {  	s16 =	simm.s32 $0x200;
	[sflag:s10] =	ssyncadd.s32 $0xFFFF9C00  }
0x17: {  	s17 =	simm.s32 $0x15C00;
	s18 =	simm.s32 $0xF800;
	[bflag:$0x0] =	sbarrier.arrive $0xFFFF  }
.LBB2_2:
0x18: {  	[tilespmem:s17], [sflag:$0x1] =	stream.indirect.gather [spmem:s2], $0x1, s18, s11, $0xb8;
	[tilespmem:$0x1C000] =	vst v63  }
0x19: {  	s17 =	smov.u32 s16;
	p0 =	sne.s32 s16, $0x18E00  }
.Ltmp0:
0x1a: {  	s16 =	sadd.s32 $0x200, s16;
	(pc) =	sbr.rel @p0 .LBB2_2-.Ltmp0, $3  }
0x1b: {  	_ =	sdelay $0x1  }
0x1c: {  	s18 =	sshra.s32 s17, $0x2  }
0x1d: {  	s17 =	sadd.s32 $0x15C00, s18;
	s18 =	sadd.s32 $0xF800, s18  }
0x1e: {  	[tilespmem:s17], [sflag:$0x1] =	stream.indirect.gather [spmem:s2], $0x1, s18, s11, $0xb8;
	[tilespmem:$0x1C000] =	vst v63  }
0x1f: {  	_ =	swait.ge [sflag:s14], $0x6400  }
0x20: {  	[sflag:s14] =	ssyncset.done $0x0  }
0x21: {  	[sflag:s14] =	ssyncadd.s32 $0xFFFF9C00  }
0x22: {  	v6 =	vld [tilespmem:$0x15C00]  }
0x23: {  	v7 =	vld [tilespmem:$0x15C10]  }
0x24: {  	v3 =	vld [tilespmem:$0x15C20]  }
0x25: {  	v4 =	vld [tilespmem:$0x15C30]  }
0x26: {  	v0 =	vld [tilespmem:$0x15C40]  }
0x27: {  	v1 =	vld [tilespmem:$0x15C50]  }
0x28: {  	v2 =	vld [tilespmem:$0x15C60]  }
0x29: {  	s31 =	simm.s32 $0xF0;
	v5 =	vld [tilespmem:$0x15C70]  }
0x2a: {  	v12 =	vld [tilespmem:s31+$0x15C00]  }
0x2b: {  	v13 =	vld [tilespmem:s31+$0x15B90]  }
0x2c: {  	v14 =	vld [tilespmem:s31+$0x15BA0]  }
0x2d: {  	v9 =	vld [tilespmem:s31+$0x15BB0]  }
0x2e: {  	v10 =	vld [tilespmem:s31+$0x15BC0]  }
0x2f: {  	v8 =	vld [tilespmem:s31+$0x15BD0]  }
0x30: {  	v11 =	vld [tilespmem:s31+$0x15BE0]  }
0x31: {  	s16 =	simm.s32 $0x170;
	s17 =	simm.s32 $0x7C0;
	v5 =	vmax.f32 v5, v12;
	v6 =	vmax.f32 v6, v13;
	v7 =	vmax.f32 v7, v14;
	v12 =	vld [tilespmem:s31+$0x15BF0]  }
.LBB2_4:
0x32: {  	p0 =	sne.s32 s17, $0x18FC0;
	v13 =	vld [tilespmem:s16+$0x15C00];
	v3 =	vmax.f32 v3, v9  }
0x33: {  	v14 =	vld [tilespmem:s16+$0x15B90];
	v4 =	vmax.f32 v4, v10  }
0x34: {  	v15 =	vld [tilespmem:s16+$0x15BA0];
	v0 =	vmax.f32 v0, v8  }
.Ltmp1:
0x35: {  	v9 =	vld [tilespmem:s16+$0x15BB0];
	v1 =	vmax.f32 v1, v11;
	(pc) =	sbr.rel @p0 .LBB2_4-.Ltmp1, $4  }
0x36: {  	v10 =	vld [tilespmem:s16+$0x15BC0];
	v2 =	vmax.f32 v2, v12  }
0x37: {  	v8 =	vld [tilespmem:s16+$0x15BD0];
	v5 =	vmax.f32 v5, v13  }
0x38: {  	v6 =	vmax.f32 v6, v14;
	v11 =	vld [tilespmem:s16+$0x15BE0]  }
0x39: {  	v7 =	vmax.f32 v7, v15;
	v12 =	vld [tilespmem:s16+$0x15BF0];
	s16 =	sshra.s32 s17, $0x2;
	s17 =	sadd.s32 $0x200, s17  }
0x3a: {  	v13 =	vld [tilespmem:s16+$0x15C00]  }
0x3b: {  	v14 =	vld [tilespmem:s16+$0x15B90]  }
0x3c: {  	v15 =	vld [tilespmem:s16+$0x15BA0]  }
0x3d: {  	v16 =	vld [tilespmem:s16+$0x15BB0]  }
0x3e: {  	v17 =	vld [tilespmem:s16+$0x15BC0]  }
0x3f: {  	v18 =	vld [tilespmem:s16+$0x15BD0]  }
0x40: {  	v19 =	vld [tilespmem:s16+$0x15BE0]  }
0x41: {  	v20 =	vld [tilespmem:s16+$0x15BF0]  }
0x42: {  	s16 =	simm.s32 $0x0;
	v3 =	vmax.f32 v3, v9;
	v9 =	vmax.f32 v4, v10  }
0x43: {  	v21 =	vld [tilespmem:s16+$0x15C00];
	v0 =	vmax.f32 v0, v8;
	v8 =	vimm.f32 $0.0e+00;
	v1 =	vmax.f32 v1, v11  }
0x44: {  	v22 =	vld [tilespmem:s16+$0x15C10];
	v2 =	vmax.f32 v2, v12;
	v4 =	vmax.f32 v5, v13;
	v14 =	vmax.f32 v6, v14  }
0x45: {  	v15 =	vmax.f32 v7, v15;
	v13 =	vmax.f32 v3, v16;
	v12 =	vmax.f32 v9, v17;
	v16 =	vld [tilespmem:s16+$0x15C20]  }
0x46: {  	v11 =	vmax.f32 v0, v18;
	v10 =	vmax.f32 v1, v19;
	v9 =	vmax.f32 v2, v20;
	v17 =	vld [tilespmem:s16+$0x15C30]  }
0x47: {  	v5 =	vimm.f32 $0.0e+00;
	v18 =	vld [tilespmem:s16+$0x15C40];
	v7 =	vimm.f32 $0.0e+00;
	v6 =	vimm.f32 $0.0e+00  }
0x48: {  	v19 =	vld [tilespmem:s16+$0x15C50];
	v3 =	vimm.f32 $0.0e+00;
	v2 =	vimm.f32 $0.0e+00;
	v21 =	vsub.f32 v21, v14  }
0x49: {  	s17 =	simm.s32 $0x200;
	v20 =	vld [tilespmem:s16+$0x15C60];
	v1 =	vimm.f32 $0.0e+00;
	v0 =	vimm.f32 $0.0e+00;
	v22 =	vsub.f32 v22, v15  }
.LBB2_6:
0x4a: {  	p0 =	sne.s32 s17, $0x18E00;
	v21 =	vmul.f32 $1.442695020e+00, v21;
	v16 =	vsub.f32 v16, v13;
	v23 =	vld [tilespmem:s16+$0x15C70]  }
0x4b: {  	v22 =	vmul.f32 $1.442695020e+00, v22;
	v17 =	vsub.f32 v17, v12  }
0x4c: {  	v16 =	vmul.f32 $1.442695020e+00, v16;
	v18 =	vsub.f32 v18, v11;
	(erf) = vpow2.f32 v21  }
0x4d: {  	v17 =	vmul.f32 $1.442695020e+00, v17;
	v19 =	vsub.f32 v19, v10;
	(erf) = vpow2.f32 v22  }
0x4e: {  	v18 =	vmul.f32 $1.442695020e+00, v18;
	v20 =	vsub.f32 v20, v9;
	(erf) = vpow2.f32 v16  }
0x4f: {  	v16 =	vmul.f32 $1.442695020e+00, v19;
	v19 =	vsub.f32 v23, v4;
	(erf) = vpow2.f32 v17  }
0x50: {  	v17 =	vmul.f32 $1.442695020e+00, v20;
	(erf) = vpow2.f32 v18  }
0x51: {  	v18 =	vmul.f32 $1.442695020e+00, v19;
	(erf) = vpow2.f32 v16  }
0x52: {  	(erf) = vpow2.f32 v17  }
0x53: {  	(erf) = vpow2.f32 v18;
	_ =	sdelay $0x1  }
0x54: {  	v16 =	vpop (erf)  }
0x55: {  	s18 =	sshra.s32 s17, $0x2;
	[tilespmem:s16+$0x15C00] =	vst v16;
	v5 =	vadd.f32 v16, v5;
	v16 =	vpop (erf)  }
0x56: {  	v19 =	vld [tilespmem:s18+$0x15C00];
	[tilespmem:s16+$0x15C10] =	vst v16;
	v7 =	vadd.f32 v16, v7;
	v16 =	vpop (erf)  }
0x57: {  	v20 =	vld [tilespmem:s18+$0x15C10];
	[tilespmem:s16+$0x15C20] =	vst v16;
	v8 =	vadd.f32 v16, v8;
	v17 =	vpop (erf)  }
.Ltmp2:
0x58: {  	v16 =	vld [tilespmem:s18+$0x15C20];
	[tilespmem:s16+$0x15C30] =	vst v17;
	v6 =	vadd.f32 v17, v6;
	v18 =	vpop (erf);
	(pc) =	sbr.rel @p0 .LBB2_6-.Ltmp2, $4  }
0x59: {  	v17 =	vld [tilespmem:s18+$0x15C30];
	[tilespmem:s16+$0x15C40] =	vst v18;
	v3 =	vadd.f32 v18, v3;
	v21 =	vpop (erf)  }
0x5a: {  	v18 =	vld [tilespmem:s18+$0x15C40];
	[tilespmem:s16+$0x15C50] =	vst v21;
	v2 =	vadd.f32 v21, v2;
	v22 =	vpop (erf)  }
0x5b: {  	v21 =	vsub.f32 v19, v14;
	v19 =	vld [tilespmem:s18+$0x15C50];
	[tilespmem:s16+$0x15C60] =	vst v22;
	v1 =	vadd.f32 v22, v1;
	v23 =	vpop (erf)  }
0x5c: {  	s17 =	sadd.s32 $0x200, s17;
	v22 =	vsub.f32 v20, v15;
	v20 =	vld [tilespmem:s18+$0x15C60];
	[tilespmem:s16+$0x15C70] =	vst v23;
	v0 =	vadd.f32 v23, v0;
	s16 =	smov.u32 s18  }
0x5d: {  	v14 =	vmul.f32 $1.442695020e+00, v21;
	v13 =	vsub.f32 v16, v13;
	v15 =	vld [tilespmem:s16+$0x15C70]  }
0x5e: {  	v63 =	vmul.f32 $1.442695020e+00, v22;
	v12 =	vsub.f32 v17, v12  }
0x5f: {  	v13 =	vmul.f32 $1.442695020e+00, v13;
	(erf) = vpow2.f32 v14  }
0x60: {  	v11 =	vsub.f32 v18, v11;
	v12 =	vmul.f32 $1.442695020e+00, v12;
	(erf) = vpow2.f32 v63  }
0x61: {  	v10 =	vsub.f32 v19, v10;
	v9 =	vsub.f32 v20, v9;
	(erf) = vpow2.f32 v13  }
0x62: {  	v11 =	vmul.f32 $1.442695020e+00, v11;
	v4 =	vsub.f32 v15, v4;
	(erf) = vpow2.f32 v12  }
0x63: {  	v10 =	vmul.f32 $1.442695020e+00, v10;
	v9 =	vmul.f32 $1.442695020e+00, v9  }
0x64: {  	(erf) = vpow2.f32 v11;
	v4 =	vmul.f32 $1.442695020e+00, v4  }
0x65: {  	(erf) = vpow2.f32 v10  }
0x66: {  	(erf) = vpow2.f32 v9  }
0x67: {  	(erf) = vpow2.f32 v4  }
0x68: {  	v4 =	vpop (erf)  }
0x69: {  	v9 =	vpop (erf)  }
0x6a: {  	v5 =	vadd.f32 v4, v5;
	v10 =	vpop (erf)  }
0x6b: {  	v7 =	vadd.f32 v9, v7;
	v11 =	vpop (erf)  }
0x6c: {  	v8 =	vadd.f32 v10, v8;
	(erf) = vrcp.f32 v5;
	v5 =	vadd.f32 v11, v6  }
0x6d: {  	v6 =	vpop (erf);
	(erf) = vrcp.f32 v7  }
0x6e: {  	[tilespmem:s16+$0x15C00] =	vst v4;
	v3 =	vadd.f32 v6, v3;
	v4 =	vpop (erf);
	(erf) = vrcp.f32 v8  }
0x6f: {  	[tilespmem:s16+$0x15C10] =	vst v9;
	v2 =	vadd.f32 v4, v2;
	v7 =	vpop (erf);
	(erf) = vrcp.f32 v5  }
0x70: {  	[tilespmem:s16+$0x15C20] =	vst v10;
	v1 =	vadd.f32 v7, v1;
	(erf) = vrcp.f32 v3;
	v5 =	vpop (erf)  }
0x71: {  	[tilespmem:s16+$0x15C30] =	vst v11;
	(erf) = vrcp.f32 v2;
	v0 =	vadd.f32 v5, v0  }
0x72: {  	[tilespmem:s16+$0x15C40] =	vst v6;
	(erf) = vrcp.f32 v1  }
0x73: {  	[tilespmem:s16+$0x15C50] =	vst v4;
	(erf) = vrcp.f32 v0  }
0x74: {  	[tilespmem:s16+$0x15C60] =	vst v7  }
0x75: {  	[tilespmem:s16+$0x15C70] =	vst v5;
	s16 =	simm.s32 $0x0;
	v0 =	vpop (erf)  }
0x76: {  	v12 =	vld [tilespmem:s16+$0x15C00];
	v7 =	vpop (erf)  }
0x77: {  	v13 =	vld [tilespmem:s16+$0x15C10];
	v6 =	vpop (erf)  }
0x78: {  	v11 =	vld [tilespmem:s16+$0x15C20];
	v1 =	vpop (erf)  }
0x79: {  	v8 =	vld [tilespmem:s16+$0x15C30];
	v2 =	vpop (erf)  }
0x7a: {  	v9 =	vld [tilespmem:s16+$0x15C40];
	v3 =	vpop (erf)  }
0x7b: {  	v10 =	vld [tilespmem:s16+$0x15C50];
	v14 =	vmul.f32 v12, v0;
	v4 =	vpop (erf)  }
0x7c: {  	s17 =	simm.s32 $0x200;
	v13 =	vmul.f32 v13, v7;
	v12 =	vld [tilespmem:s16+$0x15C60];
	v5 =	vpop (erf)  }
.LBB2_8:
0x7d: {  	s18 =	sshra.s32 s17, $0x2;
	p0 =	sne.s32 s17, $0x18E00;
	[tilespmem:s16+$0x15C00] =	vst v14;
	v11 =	vmul.f32 v11, v6;
	v14 =	vld [tilespmem:s16+$0x15C70]  }
0x7e: {  	v15 =	vld [tilespmem:s18+$0x15C00];
	[tilespmem:s16+$0x15C10] =	vst v13;
	v8 =	vmul.f32 v8, v1  }
0x7f: {  	v13 =	vld [tilespmem:s18+$0x15C10];
	[tilespmem:s16+$0x15C20] =	vst v11;
	v9 =	vmul.f32 v9, v2  }
.Ltmp3:
0x80: {  	v11 =	vld [tilespmem:s18+$0x15C20];
	[tilespmem:s16+$0x15C30] =	vst v8;
	v10 =	vmul.f32 v10, v3;
	(pc) =	sbr.rel @p0 .LBB2_8-.Ltmp3, $4  }
0x81: {  	v8 =	vld [tilespmem:s18+$0x15C30];
	[tilespmem:s16+$0x15C40] =	vst v9;
	v12 =	vmul.f32 v12, v4  }
0x82: {  	v9 =	vld [tilespmem:s18+$0x15C40];
	[tilespmem:s16+$0x15C50] =	vst v10;
	v16 =	vmul.f32 v14, v5  }
0x83: {  	v14 =	vmul.f32 v15, v0;
	v10 =	vld [tilespmem:s18+$0x15C50];
	[tilespmem:s16+$0x15C60] =	vst v12  }
0x84: {  	s17 =	sadd.s32 $0x200, s17;
	v13 =	vmul.f32 v13, v7;
	v12 =	vld [tilespmem:s18+$0x15C60];
	[tilespmem:s16+$0x15C70] =	vst v16;
	s16 =	smov.u32 s18  }
0x85: {  	[tilespmem:s16+$0x15C00] =	vst v14;
	v0 =	vmul.f32 v11, v6;
	v59 =	vld [tilespmem:s16+$0x15C70]  }
0x86: {  	[tilespmem:s16+$0x15C10] =	vst v13;
	v1 =	vmul.f32 v8, v1  }
0x87: {  	[tilespmem:s16+$0x15C20] =	vst v0;
	v60 =	vmul.f32 v9, v2  }
0x88: {  	[tilespmem:s16+$0x15C30] =	vst v1;
	v61 =	vmul.f32 v10, v3  }
0x89: {  	[tilespmem:s16+$0x15C40] =	vst v60;
	v62 =	vmul.f32 v12, v4  }
0x8a: {  	s3 =	sadd.s32 $0x1, s3;
	[tilespmem:s16+$0x15C50] =	vst v61;
	v63 =	vmul.f32 v59, v5  }
0x8b: {  	p0 =	sne.s32 s3, s8;
	[tilespmem:s16+$0x15C60] =	vst v62  }
.Ltmp4:
0x8c: {  	[tilespmem:s16+$0x15C70] =	vst v63;
	(pc) =	sbr.rel @p0 .LBB2_1-.Ltmp4, $4  }
0x8d: {  	[hbm4b:s7+s11] =	stream.strided.scatter [tilespmem:s15], [sflag:$0x2], $0x6400, s12, s11, $0x38;
	[tilespmem:$0x1C000] =	vst v63  }
0x8e: {  	_ =	swait.ge [sflag:s10], $0x6400  }
0x8f: {  	[sflag:s10] =	ssyncset.done $0x0  }
0x90: {  	[sflag:s10] =	ssyncadd.s32 $0xFFFF9C00  }
0x91: {  	_ =	sfence.sel $0x180000  }
0x92: {  	[bflag:$0x0] =	sbarrier.arrive $0xFFFF  }
0x93: {  	p0 =	sne.s32 s1, $0x0;
	_ =	strace $0x90000047  }
0x94: {  	s0 =	sadd.s32 @!p0 $0x100000, s0;
	[bflag:$0x2] =	sbarrier.arrive $0xFFFF  }
0x95: {  	[sflag:s0] =	ssyncadd.tile.s32 @!p0 $0x1;
	_ =	shalt  }
.Lfunc_end2:
_tile_overlayer_lowered:
.L_overlay_start_2:
0x96: {  	(tag) =	ssettag $0x2  }
0x97: {  	s0 =	rddreg [dreg:$0x0];
	s2 =	stileid.u32  }
0x98: {  	s1 =	rddreg [dreg:$0x1];
	p0 =	sne.s32 s2, $0x0  }
0x99: {  	s3 =	rddreg [dreg:$0x2];
	[bflag:$0x3] =	sbarrier.arrive $0xFFFF;
	s2 =	simm.s32 @!p0 $0x1C02  }
0x9a: {  	[timem:s3], [sflag:s2] =	dma.local @!p0 [hbm:s0], s1  }
0x9b: {  	s0 =	simm.s32 @!p0 $0x2  }
0x9c: {  	_ =	swait.ge @!p0 [sflag:s0], s1  }
0x9d: {  	s1 =	ssub.s32 @!p0 $0x0, s1;
	[sflag:s0] =	ssyncset.done @!p0 $0x0  }
0x9e: {  	[sflag:s0] =	ssyncadd.s32 @!p0 s1  }
0x9f: {  	[bflag:$0x3] =	sbarrier.arrive $0xFFFF  }
0xa0: {  	_ =	shalt  }

</sc_bundles>
